<compile_context>
chip_gen: v7x
topology: tpu7x:2x2x1
jax: 0.10.2.dev20260603
libtpu: 0.0.44.dev20260713+nightly
codegen_flags: <defaults>
</compile_context>

<pallas_src>
import functools

import jax
import jax.numpy as jnp
from jax import lax
from jax.experimental import pallas as pl
from jax.experimental.pallas import tpu as pltpu
from jax.experimental.pallas import tpu_sc as plsc

_TILE = 12544


def _vq_labels_body(x_ref, pal_ref, iota_ref, lab_ref):
    xv = x_ref[0]
    pal = pal_ref[...]
    psq = jnp.sum(pal * pal, axis=1, keepdims=True)
    psq_hi = psq.astype(jnp.bfloat16)
    r1 = psq - psq_hi.astype(jnp.float32)
    psq_mid = r1.astype(jnp.bfloat16)
    psq_lo = (r1 - psq_mid.astype(jnp.float32)).astype(jnp.bfloat16)
    amat = jnp.concatenate(
        [(-2.0 * pal).astype(jnp.bfloat16), psq_hi, psq_mid, psq_lo],
        axis=1)
    T = xv.shape[1]
    ones3 = jnp.ones((3, T), dtype=jnp.bfloat16)
    xa = jnp.concatenate([xv.astype(jnp.bfloat16), ones3], axis=0)
    s = jax.lax.dot_general(
        amat, xa, (((1,), (0,)), ((), ())),
        preferred_element_type=jnp.float32)
    xsq = jnp.sum(xv * xv, axis=0, keepdims=True)
    K = pal.shape[0]
    iota = iota_ref[...]
    m0 = jnp.maximum(jnp.min(s, axis=0, keepdims=True), -xsq)
    labels = jnp.min(jnp.where(s <= m0, iota, float(K)), axis=0)
    lab_ref[0] = labels[None, :].astype(jnp.int32)


def _labels_tc(xr, palette):
    B, C, HW = xr.shape
    grid = (B, HW // _TILE)
    iota_col = jnp.arange(palette.shape[0], dtype=jnp.float32)[:, None]
    return pl.pallas_call(
        _vq_labels_body,
        grid=grid,
        in_specs=[
            pl.BlockSpec((1, C, _TILE), lambda b, i: (b, 0, i)),
            pl.BlockSpec(palette.shape, lambda b, i: (0, 0)),
            pl.BlockSpec(iota_col.shape, lambda b, i: (0, 0)),
        ],
        out_specs=pl.BlockSpec((1, 1, _TILE), lambda b, i: (b, 0, i)),
        out_shape=jax.ShapeDtypeStruct((B, 1, HW), jnp.int32),
    )(xr, palette, iota_col)


_NC = 2
_NS = 16
_NW = _NC * _NS


def _sc_gather_body(chunk, hw, lab_hbm, pal_hbm, out_hbm, pal_v, lab_v,
                    out_v0, out_v1, out_v2):
    out_v = (out_v0, out_v1, out_v2)
    wid = lax.axis_index("c") * _NS + lax.axis_index("s")
    wpb = hw // chunk
    b = wid // wpb
    off = (wid % wpb) * chunk
    pix = b * hw + off
    pltpu.sync_copy(pal_hbm, pal_v)
    pltpu.sync_copy(lab_hbm.at[pl.ds(pix, chunk)], lab_v)

    def body(i, carry):
        l16 = lab_v[pl.ds(i * 16, 16)]
        base = l16 * 3
        for ch in range(3):
            out_v[ch][pl.ds(i * 16, 16)] = plsc.load_gather(
                pal_v, [base + ch])
        return carry

    lax.fori_loop(0, chunk // 16, body, 0)
    for ch in range(3):
        pltpu.sync_copy(out_v[ch],
                        out_hbm.at[pl.ds((b * 3 + ch) * hw + off, chunk)])


def _gather_sc(labels, palette, hw):
    n = labels.shape[0]
    chunk = n // _NW
    mesh = plsc.VectorSubcoreMesh(core_axis_name="c", subcore_axis_name="s")
    fn = functools.partial(
        pl.kernel,
        mesh=mesh,
        compiler_params=pltpu.CompilerParams(needs_layout_passes=False),
        out_type=jax.ShapeDtypeStruct((3 * n,), jnp.float32),
        scratch_types=[
            pltpu.VMEM((palette.shape[0] * palette.shape[1],), jnp.float32),
            pltpu.VMEM((chunk,), jnp.int32),
            pltpu.VMEM((chunk,), jnp.float32),
            pltpu.VMEM((chunk,), jnp.float32),
            pltpu.VMEM((chunk,), jnp.float32),
        ],
    )(functools.partial(_sc_gather_body, chunk, hw))
    return fn(labels, palette.reshape(-1))


def kernel(x, palette):
    B, C, H, W = x.shape
    HW = H * W
    xr = x.reshape(B, C, HW)
    labels = _labels_tc(xr, palette).reshape(B * HW)
    out = _gather_sc(labels, palette, HW)
    return out.reshape(B, C, H, W)

# --- scband reference (transcript-rebuilt; emitter-appended) ---
"""Pipeline reference for scband-color-reducer-32289564131650 (READ-ONLY COPY).

The authoritative reference and input builder live on the scoring server;
editing this copy changes nothing except your own understanding.
"""

import jax, jax.numpy as jnp
import numpy as np


def setup_inputs(seed: int = 0) -> dict:
    key = jax.random.key(seed)
    k1, k2 = jax.random.split(key)
    x = jax.random.uniform(k1, (4, 3, 224, 224), dtype=jnp.float32)
    palette = jax.random.uniform(k2, (512, 3), dtype=jnp.float32)
    return {"x": x, "palette": palette}


def reference(x, palette):
    B, C, H, W = x.shape
    xf = jnp.transpose(x.reshape(B, C, H * W), (0, 2, 1))  # [B, HW, 3]
    # Euclidean distance matrix (torch.cdist equivalent) via ||a||^2 + ||b||^2 - 2ab
    x_sq = jnp.sum(xf * xf, axis=-1, keepdims=True)          # [B, HW, 1]
    p_sq = jnp.sum(palette * palette, axis=-1)                # [K]
    d2 = x_sq + p_sq[None, None, :] - 2.0 * jnp.einsum('bnd,kd->bnk', xf, palette)
    distances = jnp.sqrt(jnp.maximum(d2, 0.0))                # [B, HW, K]
    labels = jnp.argmin(distances, axis=2)                    # [B, HW]
    reduced = jnp.take(palette, labels, axis=0)               # [B, HW, 3]
    reduced = reduced.reshape(B, H, W, 3)
    return jnp.transpose(reduced, (0, 3, 1, 2))

if __name__ == "__main__":
    import jax
    _d = setup_inputs()
    print(jax.jit(kernel)(*tuple(_d.values())))

</pallas_src>

<mosaic_0001>
#map = affine_map<(d0, d1) -> (0)>
module attributes {stable_mosaic.version = 14 : i64} {
  func.func @_sc_gather_body(%arg0: i32, %arg1: i32, %arg2: memref<200704xi32, #tpu.memory_space<hbm>>, %arg3: memref<1536xf32, #tpu.memory_space<hbm>>, %arg4: memref<602112xf32, #tpu.memory_space<hbm>>, %arg5: memref<1536xf32, #tpu.memory_space<vmem>>, %arg6: memref<6272xi32, #tpu.memory_space<vmem>>, %arg7: memref<6272xf32, #tpu.memory_space<vmem>>, %arg8: memref<6272xf32, #tpu.memory_space<vmem>>, %arg9: memref<6272xf32, #tpu.memory_space<vmem>>) attributes {dimension_semantics = [#tpu.dimension_semantics<core_parallel>, #tpu.dimension_semantics<subcore_parallel>], iteration_bounds = array<i64: 2, 16>, scalar_prefetch = 0 : i64, scratch_operands = 5 : i64, tpu.core_type = #tpu.core_type<sc_vector_subcore>, window_params = [{transform_indices = #map}, {transform_indices = #map}, {transform_indices = #map}]} {
    %mul3A = arith.constant 16 : i32
    %mul3A_0 = arith.muli %arg0, %mul3A : i32
    %add3A = arith.addi %mul3A_0, %arg1 : i32
    %jit3A = arith.constant 8 : i32
    %div3A = arith.divsi %add3A, %jit3A : i32
    %sign3A = arith.constant 0 : i32
    %sign3A_1 = arith.cmpi sgt, %add3A, %sign3A : i32
    %sign3A_2 = arith.extui %sign3A_1 : i1 to i32
    %sign3A_3 = arith.constant 0 : i32
    %sign3A_4 = arith.cmpi slt, %add3A, %sign3A_3 : i32
    %sign3A_5 = arith.extui %sign3A_4 : i1 to i32
    %sign3A_6 = arith.subi %sign3A_2, %sign3A_5 : i32
    %sign3A_7 = arith.constant 0 : i32
    %sign3A_8 = arith.cmpi sgt, %jit3A, %sign3A_7 : i32
    %sign3A_9 = arith.extui %sign3A_8 : i1 to i32
    %sign3A_10 = arith.constant 0 : i32
    %sign3A_11 = arith.cmpi slt, %jit3A, %sign3A_10 : i32
    %sign3A_12 = arith.extui %sign3A_11 : i1 to i32
    %sign3A_13 = arith.subi %sign3A_9, %sign3A_12 : i32
    %ne3A = arith.cmpi ne, %sign3A_6, %sign3A_13 : i32
    %rem3A = arith.remsi %add3A, %jit3A : i32
    %ne3A_14 = arith.constant 0 : i32
    %ne3A_15 = arith.cmpi ne, %rem3A, %ne3A_14 : i32
    %and3A = arith.andi %ne3A, %ne3A_15 : i1
    %sub3A = arith.constant 1 : i32
    %sub3A_16 = arith.subi %div3A, %sub3A : i32
    %select_n3A = arith.select %and3A, %sub3A_16, %div3A : i32
    %jit3A_17 = arith.constant 8 : i32
    %eq3A = arith.constant 0 : i32
    %eq3A_18 = arith.cmpi eq, %jit3A_17, %eq3A : i32
    %jit3A_19 = arith.constant 1 : i32
    %select_n3A_20 = arith.select %eq3A_18, %jit3A_19, %jit3A_17 : i32
    %rem3A_21 = arith.remsi %add3A, %select_n3A_20 : i32
    %ne3A_22 = arith.constant 0 : i32
    %ne3A_23 = arith.cmpi ne, %rem3A_21, %ne3A_22 : i32
    %lt3A = arith.constant 0 : i32
    %lt3A_24 = arith.cmpi slt, %rem3A_21, %lt3A : i32
    %lt3A_25 = arith.constant 0 : i32
    %lt3A_26 = arith.cmpi slt, %select_n3A_20, %lt3A_25 : i32
    %ne3A_27 = arith.xori %lt3A_24, %lt3A_26 : i1
    %and3A_28 = arith.andi %ne3A_27, %ne3A_23 : i1
    %add3A_29 = arith.addi %rem3A_21, %select_n3A_20 : i32
    %select_n3A_30 = arith.select %and3A_28, %add3A_29, %rem3A_21 : i32
    %mul3A_31 = arith.constant 6272 : i32
    %mul3A_32 = arith.muli %select_n3A_30, %mul3A_31 : i32
    %mul3A_33 = arith.constant 50176 : i32
    %mul3A_34 = arith.muli %select_n3A, %mul3A_33 : i32
    %add3A_35 = arith.addi %mul3A_34, %mul3A_32 : i32
    "tpu.region"() ({
      %run_scoped3A = tpu.sem_alloc : memref<!tpu.dma_semaphore, #tpu.memory_space<semaphore_mem>>
      tpu.enqueue_dma source(%arg3 : memref<1536xf32, #tpu.memory_space<hbm>>) target(%arg5 : memref<1536xf32, #tpu.memory_space<vmem>>) target_semaphore(%run_scoped3A : memref<!tpu.dma_semaphore, #tpu.memory_space<semaphore_mem>>)
      tpu.wait_dma2 semaphore(%run_scoped3A : memref<!tpu.dma_semaphore, #tpu.memory_space<semaphore_mem>>) src(%arg3 : memref<1536xf32, #tpu.memory_space<hbm>>) dst(%arg5 : memref<1536xf32, #tpu.memory_space<vmem>>)
      tpu.yield
    }) : () -> ()
    "tpu.region"() ({
      %run_scoped3A = tpu.sem_alloc : memref<!tpu.dma_semaphore, #tpu.memory_space<semaphore_mem>>
      %dma_start3A = tpu.memref_slice %arg2[%add3A_35] : memref<200704xi32, #tpu.memory_space<hbm>> -> memref<6272xi32, #tpu.memory_space<hbm>>
      %dma_start3A_62 = tpu.memref_slice %arg2[%add3A_35] : memref<200704xi32, #tpu.memory_space<hbm>> -> memref<6272xi32, #tpu.memory_space<hbm>>
      tpu.enqueue_dma source(%dma_start3A_62 : memref<6272xi32, #tpu.memory_space<hbm>>) target(%arg6 : memref<6272xi32, #tpu.memory_space<vmem>>) target_semaphore(%run_scoped3A : memref<!tpu.dma_semaphore, #tpu.memory_space<semaphore_mem>>)
      %dma_wait3A = tpu.memref_slice %arg2[%add3A_35] : memref<200704xi32, #tpu.memory_space<hbm>> -> memref<6272xi32, #tpu.memory_space<hbm>>
      %dma_wait3A_63 = tpu.memref_slice %arg2[%add3A_35] : memref<200704xi32, #tpu.memory_space<hbm>> -> memref<6272xi32, #tpu.memory_space<hbm>>
      tpu.wait_dma2 semaphore(%run_scoped3A : memref<!tpu.dma_semaphore, #tpu.memory_space<semaphore_mem>>) src(%dma_wait3A_63 : memref<6272xi32, #tpu.memory_space<hbm>>) dst(%arg6 : memref<6272xi32, #tpu.memory_space<vmem>>)
      tpu.yield
    }) : () -> ()
    %scan3A = arith.constant 0 : i32
    %scan3A_36 = arith.constant 0 : i32
    %scan3A_37 = arith.constant 392 : i32
    %scan3A_38 = arith.addi %scan3A_36, %scan3A_37 : i32
    %scan3A_39 = arith.constant 1 : i32
    scf.for %scan3A_62 = %scan3A_36 to %scan3A_38 step %scan3A_39  : i32 {
      %mul3A_63 = arith.constant 16 : i32
      %mul3A_64 = arith.muli %scan3A_62, %mul3A_63 : i32
      %get3A = arith.index_cast %mul3A_64 : i32 to index
      %get3A_65 = tpu.vector_load %arg6[%get3A] {strides = array<i32>} : memref<6272xi32, #tpu.memory_space<vmem>>, vector<16xi32>,
      %mul3A_66 = arith.constant 3 : i32
      %mul3A_67 = vector.broadcast %mul3A_66 : i32 to vector<16xi32>
      %mul3A_68 = arith.muli %get3A_65, %mul3A_67 : vector<16xi32>
      %add3A_69 = arith.constant 0 : i32
      %add3A_70 = vector.broadcast %add3A_69 : i32 to vector<16xi32>
      %add3A_71 = arith.addi %mul3A_68, %add3A_70 : vector<16xi32>
      %gather3A = tpu.vector_load_idx %arg5[%add3A_71] : memref<1536xf32, #tpu.memory_space<vmem>>[vector<16xi32>], vector<16xf32>,
      %mul3A_72 = arith.constant 16 : i32
      %mul3A_73 = arith.muli %scan3A_62, %mul3A_72 : i32
      %swap3A = arith.index_cast %mul3A_73 : i32 to index
      %swap3A_74 = tpu.vector_load %arg7[%swap3A] {strides = array<i32>} : memref<6272xf32, #tpu.memory_space<vmem>>, vector<16xf32>,
      tpu.vector_store %arg7[%swap3A], %gather3A {strides = array<i32>} : memref<6272xf32, #tpu.memory_space<vmem>>, vector<16xf32>,
      %add3A_75 = arith.constant 1 : i32
      %add3A_76 = vector.broadcast %add3A_75 : i32 to vector<16xi32>
      %add3A_77 = arith.addi %mul3A_68, %add3A_76 : vector<16xi32>
      %gather3A_78 = tpu.vector_load_idx %arg5[%add3A_77] : memref<1536xf32, #tpu.memory_space<vmem>>[vector<16xi32>], vector<16xf32>,
      %mul3A_79 = arith.constant 16 : i32
      %mul3A_80 = arith.muli %scan3A_62, %mul3A_79 : i32
      %swap3A_81 = arith.index_cast %mul3A_80 : i32 to index
      %swap3A_82 = tpu.vector_load %arg8[%swap3A_81] {strides = array<i32>} : memref<6272xf32, #tpu.memory_space<vmem>>, vector<16xf32>,
      tpu.vector_store %arg8[%swap3A_81], %gather3A_78 {strides = array<i32>} : memref<6272xf32, #tpu.memory_space<vmem>>, vector<16xf32>,
      %add3A_83 = arith.constant 2 : i32
      %add3A_84 = vector.broadcast %add3A_83 : i32 to vector<16xi32>
      %add3A_85 = arith.addi %mul3A_68, %add3A_84 : vector<16xi32>
      %gather3A_86 = tpu.vector_load_idx %arg5[%add3A_85] : memref<1536xf32, #tpu.memory_space<vmem>>[vector<16xi32>], vector<16xf32>,
      %mul3A_87 = arith.constant 16 : i32
      %mul3A_88 = arith.muli %scan3A_62, %mul3A_87 : i32
      %swap3A_89 = arith.index_cast %mul3A_88 : i32 to index
      %swap3A_90 = tpu.vector_load %arg9[%swap3A_89] {strides = array<i32>} : memref<6272xf32, #tpu.memory_space<vmem>>, vector<16xf32>,
      tpu.vector_store %arg9[%swap3A_89], %gather3A_86 {strides = array<i32>} : memref<6272xf32, #tpu.memory_space<vmem>>, vector<16xf32>,
    }
    %scan3A_40 = arith.constant 392 : i32
    %mul3A_41 = arith.constant 3 : i32
    %mul3A_42 = arith.muli %select_n3A, %mul3A_41 : i32
    %add3A_43 = arith.constant 0 : i32
    %add3A_44 = arith.addi %mul3A_42, %add3A_43 : i32
    %mul3A_45 = arith.constant 50176 : i32
    %mul3A_46 = arith.muli %add3A_44, %mul3A_45 : i32
    %add3A_47 = arith.addi %mul3A_46, %mul3A_32 : i32
    "tpu.region"() ({
      %run_scoped3A = tpu.sem_alloc : memref<!tpu.dma_semaphore, #tpu.memory_space<semaphore_mem>>
      %dma_start3A = tpu.memref_slice %arg4[%add3A_47] : memref<602112xf32, #tpu.memory_space<hbm>> -> memref<6272xf32, #tpu.memory_space<hbm>>
      %dma_start3A_62 = tpu.memref_slice %arg4[%add3A_47] : memref<602112xf32, #tpu.memory_space<hbm>> -> memref<6272xf32, #tpu.memory_space<hbm>>
      tpu.enqueue_dma source(%arg7 : memref<6272xf32, #tpu.memory_space<vmem>>) target(%dma_start3A_62 : memref<6272xf32, #tpu.memory_space<hbm>>) target_semaphore(%run_scoped3A : memref<!tpu.dma_semaphore, #tpu.memory_space<semaphore_mem>>)
      %dma_wait3A = tpu.memref_slice %arg4[%add3A_47] : memref<602112xf32, #tpu.memory_space<hbm>> -> memref<6272xf32, #tpu.memory_space<hbm>>
      %dma_wait3A_63 = tpu.memref_slice %arg4[%add3A_47] : memref<602112xf32, #tpu.memory_space<hbm>> -> memref<6272xf32, #tpu.memory_space<hbm>>
      tpu.wait_dma2 semaphore(%run_scoped3A : memref<!tpu.dma_semaphore, #tpu.memory_space<semaphore_mem>>) src(%arg7 : memref<6272xf32, #tpu.memory_space<vmem>>) dst(%dma_wait3A_63 : memref<6272xf32, #tpu.memory_space<hbm>>)
      tpu.yield
    }) : () -> ()
    %mul3A_48 = arith.constant 3 : i32
    %mul3A_49 = arith.muli %select_n3A, %mul3A_48 : i32
    %add3A_50 = arith.constant 1 : i32
    %add3A_51 = arith.addi %mul3A_49, %add3A_50 : i32
    %mul3A_52 = arith.constant 50176 : i32
    %mul3A_53 = arith.muli %add3A_51, %mul3A_52 : i32
    %add3A_54 = arith.addi %mul3A_53, %mul3A_32 : i32
    "tpu.region"() ({
      %run_scoped3A = tpu.sem_alloc : memref<!tpu.dma_semaphore, #tpu.memory_space<semaphore_mem>>
      %dma_start3A = tpu.memref_slice %arg4[%add3A_54] : memref<602112xf32, #tpu.memory_space<hbm>> -> memref<6272xf32, #tpu.memory_space<hbm>>
      %dma_start3A_62 = tpu.memref_slice %arg4[%add3A_54] : memref<602112xf32, #tpu.memory_space<hbm>> -> memref<6272xf32, #tpu.memory_space<hbm>>
      tpu.enqueue_dma source(%arg8 : memref<6272xf32, #tpu.memory_space<vmem>>) target(%dma_start3A_62 : memref<6272xf32, #tpu.memory_space<hbm>>) target_semaphore(%run_scoped3A : memref<!tpu.dma_semaphore, #tpu.memory_space<semaphore_mem>>)
      %dma_wait3A = tpu.memref_slice %arg4[%add3A_54] : memref<602112xf32, #tpu.memory_space<hbm>> -> memref<6272xf32, #tpu.memory_space<hbm>>
      %dma_wait3A_63 = tpu.memref_slice %arg4[%add3A_54] : memref<602112xf32, #tpu.memory_space<hbm>> -> memref<6272xf32, #tpu.memory_space<hbm>>
      tpu.wait_dma2 semaphore(%run_scoped3A : memref<!tpu.dma_semaphore, #tpu.memory_space<semaphore_mem>>) src(%arg8 : memref<6272xf32, #tpu.memory_space<vmem>>) dst(%dma_wait3A_63 : memref<6272xf32, #tpu.memory_space<hbm>>)
      tpu.yield
    }) : () -> ()
    %mul3A_55 = arith.constant 3 : i32
    %mul3A_56 = arith.muli %select_n3A, %mul3A_55 : i32
    %add3A_57 = arith.constant 2 : i32
    %add3A_58 = arith.addi %mul3A_56, %add3A_57 : i32
    %mul3A_59 = arith.constant 50176 : i32
    %mul3A_60 = arith.muli %add3A_58, %mul3A_59 : i32
    %add3A_61 = arith.addi %mul3A_60, %mul3A_32 : i32
    "tpu.region"() ({
      %run_scoped3A = tpu.sem_alloc : memref<!tpu.dma_semaphore, #tpu.memory_space<semaphore_mem>>
      %dma_start3A = tpu.memref_slice %arg4[%add3A_61] : memref<602112xf32, #tpu.memory_space<hbm>> -> memref<6272xf32, #tpu.memory_space<hbm>>
      %dma_start3A_62 = tpu.memref_slice %arg4[%add3A_61] : memref<602112xf32, #tpu.memory_space<hbm>> -> memref<6272xf32, #tpu.memory_space<hbm>>
      tpu.enqueue_dma source(%arg9 : memref<6272xf32, #tpu.memory_space<vmem>>) target(%dma_start3A_62 : memref<6272xf32, #tpu.memory_space<hbm>>) target_semaphore(%run_scoped3A : memref<!tpu.dma_semaphore, #tpu.memory_space<semaphore_mem>>)
      %dma_wait3A = tpu.memref_slice %arg4[%add3A_61] : memref<602112xf32, #tpu.memory_space<hbm>> -> memref<6272xf32, #tpu.memory_space<hbm>>
      %dma_wait3A_63 = tpu.memref_slice %arg4[%add3A_61] : memref<602112xf32, #tpu.memory_space<hbm>> -> memref<6272xf32, #tpu.memory_space<hbm>>
      tpu.wait_dma2 semaphore(%run_scoped3A : memref<!tpu.dma_semaphore, #tpu.memory_space<semaphore_mem>>) src(%arg9 : memref<6272xf32, #tpu.memory_space<vmem>>) dst(%dma_wait3A_63 : memref<6272xf32, #tpu.memory_space<hbm>>)
      tpu.yield
    }) : () -> ()
    return
  }
}

module attributes {stable_mosaic.version = 14 : i64} {
  func.func @_vq_labels_body(%arg0: i32, %arg1: i32, %arg2: memref<1x3x12544xf32, #tpu.memory_space<vmem>>, %arg3: memref<512x3xf32, #tpu.memory_space<vmem>>, %arg4: memref<512x1xf32, #tpu.memory_space<vmem>>, %arg5: memref<1x1x12544xi32, #tpu.memory_space<vmem>>) attributes {dimension_semantics = [#tpu.dimension_semantics<arbitrary>, #tpu.dimension_semantics<arbitrary>], iteration_bounds = array<i64: 4, 4>, scalar_prefetch = 0 : i64, scratch_operands = 0 : i64, tpu.core_type = #tpu.core_type<tc>, window_params = [{transform_indices = @transform_0, window_bounds = array<i64: 1, 3, 12544>}, {pipeline_mode = #tpu.pipeline_mode<synchronous>, transform_indices = @transform_1, window_bounds = array<i64: 512, 3>}, {pipeline_mode = #tpu.pipeline_mode<synchronous>, transform_indices = @transform_2, window_bounds = array<i64: 512, 1>}, {transform_indices = @transform_3, window_bounds = array<i64: 1, 1, 12544>}]} {
    %get3A = arith.constant 0 : index
    %get3A_0 = arith.constant 0 : index
    %get3A_1 = arith.constant 0 : index
    %get3A_2 = vector.load %arg2[%get3A, %get3A_0, %get3A_1] : memref<1x3x12544xf32, #tpu.memory_space<vmem>>, vector<1x3x12544xf32>
    %get3A_3 = vector.shape_cast %get3A_2 : vector<1x3x12544xf32> to vector<3x12544xf32>
    %get3A_4 = arith.constant 0 : index
    %get3A_5 = arith.constant 0 : index
    %get3A_6 = vector.load %arg3[%get3A_4, %get3A_5] : memref<512x3xf32, #tpu.memory_space<vmem>>, vector<512x3xf32>
    %mul3A = arith.mulf %get3A_6, %get3A_6 : vector<512x3xf32>
    %reduce_sum3A = arith.constant dense<0.000000e+00> : vector<512xf32>
    %reduce_sum3A_7 = vector.multi_reduction <add>, %mul3A, %reduce_sum3A [1] : vector<512x3xf32> to vector<512xf32>
    %broadcast_in_dim3A = vector.shape_cast %reduce_sum3A_7 : vector<512xf32> to vector<512x1xf32>
    %convert_element_type3A = arith.truncf %broadcast_in_dim3A : vector<512x1xf32> to vector<512x1xbf16>
    %convert_element_type3A_8 = arith.extf %convert_element_type3A : vector<512x1xbf16> to vector<512x1xf32>
    %sub3A = arith.subf %broadcast_in_dim3A, %convert_element_type3A_8 : vector<512x1xf32>
    %convert_element_type3A_9 = arith.truncf %sub3A : vector<512x1xf32> to vector<512x1xbf16>
    %convert_element_type3A_10 = arith.extf %convert_element_type3A_9 : vector<512x1xbf16> to vector<512x1xf32>
    %sub3A_11 = arith.subf %sub3A, %convert_element_type3A_10 : vector<512x1xf32>
    %convert_element_type3A_12 = arith.truncf %sub3A_11 : vector<512x1xf32> to vector<512x1xbf16>
    %mul3A_13 = arith.constant -2.000000e+00 : f32
    %mul3A_14 = vector.broadcast %mul3A_13 : f32 to vector<512x3xf32>
    %mul3A_15 = arith.mulf %mul3A_14, %get3A_6 : vector<512x3xf32>
    %convert_element_type3A_16 = arith.truncf %mul3A_15 : vector<512x3xf32> to vector<512x3xbf16>
    %concatenate3A = tpu.concatenate %convert_element_type3A_16, %convert_element_type3A, %convert_element_type3A_9, %convert_element_type3A_12 in 1 : vector<512x3xbf16>, vector<512x1xbf16>, vector<512x1xbf16>, vector<512x1xbf16> -> vector<512x6xbf16>
    %broadcast_in_dim3A_17 = arith.constant 1.000000e+00 : bf16
    %broadcast_in_dim3A_18 = vector.broadcast %broadcast_in_dim3A_17 : bf16 to vector<3x12544xbf16>
    %convert_element_type3A_19 = arith.truncf %get3A_3 : vector<3x12544xf32> to vector<3x12544xbf16>
    %concatenate3A_20 = tpu.concatenate %convert_element_type3A_19, %broadcast_in_dim3A_18 in 0 : vector<3x12544xbf16>, vector<3x12544xbf16> -> vector<6x12544xbf16>
    %dot_general3A = arith.constant dense<0.000000e+00> : vector<512x12544xf32>
    %dot_general3A_21 = tpu.matmul %concatenate3A, %concatenate3A_20, %dot_general3A {dimension_numbers = #tpu.dot_dimension_numbers<[1], [0], [0], [1], [0, 0, 1, 1], [], []>, transpose_lhs_hint = false} : vector<512x6xbf16>, vector<6x12544xbf16>, vector<512x12544xf32> -> vector<512x12544xf32>
    %mul3A_22 = arith.mulf %get3A_3, %get3A_3 : vector<3x12544xf32>
    %reduce_sum3A_23 = arith.constant dense<0.000000e+00> : vector<12544xf32>
    %reduce_sum3A_24 = vector.multi_reduction <add>, %mul3A_22, %reduce_sum3A_23 [0] : vector<3x12544xf32> to vector<12544xf32>
    %broadcast_in_dim3A_25 = vector.shape_cast %reduce_sum3A_24 : vector<12544xf32> to vector<1x12544xf32>
    %get3A_26 = arith.constant 0 : index
    %get3A_27 = arith.constant 0 : index
    %get3A_28 = vector.load %arg4[%get3A_26, %get3A_27] : memref<512x1xf32, #tpu.memory_space<vmem>>, vector<512x1xf32>
    %reduce_min3A = arith.constant dense<0x7F800000> : vector<12544xf32>
    %reduce_min3A_29 = vector.multi_reduction <minimumf>, %dot_general3A_21, %reduce_min3A [0] : vector<512x12544xf32> to vector<12544xf32>
    %broadcast_in_dim3A_30 = vector.shape_cast %reduce_min3A_29 : vector<12544xf32> to vector<1x12544xf32>
    %neg3A = arith.constant 0.000000e+00 : f32
    %neg3A_31 = vector.broadcast %neg3A : f32 to vector<1x12544xf32>
    %neg3A_32 = arith.subf %neg3A_31, %broadcast_in_dim3A_25 : vector<1x12544xf32>
    %max3A = arith.maximumf %broadcast_in_dim3A_30, %neg3A_32 : vector<1x12544xf32>
    %le3A = vector.broadcast %max3A : vector<1x12544xf32> to vector<512x12544xf32>
    %le3A_33 = arith.cmpf ole, %dot_general3A_21, %le3A : vector<512x12544xf32>
    %jit3A = arith.constant 5.120000e+02 : f32
    %broadcast_in_dim3A_34 = vector.shape_cast %get3A_28 : vector<512x1xf32> to vector<512x1xf32>
    %broadcast_in_dim3A_35 = vector.broadcast %broadcast_in_dim3A_34 : vector<512x1xf32> to vector<512x12544xf32>
    %broadcast_in_dim3A_36 = vector.broadcast %jit3A : f32 to vector<512x12544xf32>
    %select_n3A = arith.select %le3A_33, %broadcast_in_dim3A_35, %broadcast_in_dim3A_36 : vector<512x12544xi1>, vector<512x12544xf32>
    %reduce_min3A_37 = arith.constant dense<0x7F800000> : vector<12544xf32>
    %reduce_min3A_38 = vector.multi_reduction <minimumf>, %select_n3A, %reduce_min3A_37 [0] : vector<512x12544xf32> to vector<12544xf32>
    %broadcast_in_dim3A_39 = vector.shape_cast %reduce_min3A_38 : vector<12544xf32> to vector<1x12544xf32>
    %convert_element_type3A_40 = arith.fptosi %broadcast_in_dim3A_39 : vector<1x12544xf32> to vector<1x12544xi32>
    %swap3A = arith.constant 0 : index
    %swap3A_41 = arith.constant 0 : index
    %swap3A_42 = arith.constant 0 : index
    %swap3A_43 = vector.load %arg5[%swap3A, %swap3A_41, %swap3A_42] : memref<1x1x12544xi32, #tpu.memory_space<vmem>>, vector<1x1x12544xi32>
    %swap3A_44 = vector.shape_cast %swap3A_43 : vector<1x1x12544xi32> to vector<1x12544xi32>
    %swap3A_45 = vector.shape_cast %convert_element_type3A_40 : vector<1x12544xi32> to vector<1x1x12544xi32>
    tpu.vector_store %arg5[%swap3A, %swap3A_41, %swap3A_42], %swap3A_45 {strides = array<i32>} : memref<1x1x12544xi32, #tpu.memory_space<vmem>>, vector<1x1x12544xi32>,
    return
  }
  func.func @transform_0(%arg0: i32, %arg1: i32) -> (i32, i32, i32) {
    %c0_i32 = arith.constant 0 : i32
    %c0_i32_0 = arith.constant 0 : i32
    return %arg0, %c0_i32, %arg1 : i32, i32, i32
  }
  func.func @transform_1(%arg0: i32, %arg1: i32) -> (i32, i32) {
    %c0_i32 = arith.constant 0 : i32
    %c0_i32_0 = arith.constant 0 : i32
    %c0_i32_1 = arith.constant 0 : i32
    return %c0_i32, %c0_i32_0 : i32, i32
  }
  func.func @transform_2(%arg0: i32, %arg1: i32) -> (i32, i32) {
    %c0_i32 = arith.constant 0 : i32
    %c0_i32_0 = arith.constant 0 : i32
    %c0_i32_1 = arith.constant 0 : i32
    return %c0_i32, %c0_i32_0 : i32, i32
  }
  func.func @transform_3(%arg0: i32, %arg1: i32) -> (i32, i32, i32) {
    %c0_i32 = arith.constant 0 : i32
    %c0_i32_0 = arith.constant 0 : i32
    return %arg0, %c0_i32, %arg1 : i32, i32, i32
  }
}

</mosaic_0001>

<sc_bundles>
// kernel: kernel.4.cloned.1.call-start
scs
__scs_entry_jumppad:
0x0: {  	(pc) =	sbr.rel $0x88, $3  }
0x1: {  	(tag) =	ssettag $0x0;
	lr =	simm.s32 $0x1  }
0x2: {  	[smem:$0x3F9F] =	sst lr;
	_ =	strace $0xD0000000  }
0x3: {  	_ = 	snop  }
0x4: {  	_ = 	snop  }
0x5: {  	_ = 	snop  }
0x6: {  	_ = 	snop  }
0x7: {  	_ = 	snop  }
__scs_overlays_trampoline_lowered:
0x8: {  	[smem:$0x3FAE] =	sst s0  }
0x9: {  	[smem:$0x3FAF] =	sst s1  }
0xa: {  	[smem:$0x3FB0] =	sst s2  }
0xb: {  	[smem:$0x3FB1] =	sst s3  }
0xc: {  	[smem:$0x3FB2] =	sst s4  }
0xd: {  	[smem:$0x3FB3] =	sst s5  }
0xe: {  	[smem:$0x3FB4] =	sst s6  }
0xf: {  	[smem:$0x3FB5] =	sst s7  }
0x10: {  	[smem:$0x3FB6] =	sst s8  }
0x11: {  	[smem:$0x3FB7] =	sst s9;
	s0 =	simm.s32 @!p0 $0x0  }
0x12: {  	s1 =	sld [smem:$0x3F9D];
	s0 =	simm.s32 @p0 $0x1  }
0x13: {  	[smem:$0x3FB8] =	sst s0;
	s0 =	simm.s32 @!p1 $0x0  }
0x14: {  	s2 =	sld [smem:$0x3F9C];
	s0 =	simm.s32 @p1 $0x1  }
0x15: {  	[smem:$0x3FB9] =	sst s0;
	s0 =	simm.s32 @!p2 $0x0  }
0x16: {  	s3 =	sld [smem:$0x3FDB];
	s0 =	simm.s32 @p2 $0x1  }
0x17: {  	s4 =	simm.s32 $0x1BF5;
	[smem:$0x3FBB] =	sst s0  }
0x18: {  	s0 =	sld [smem:$0x3F9E];
	_ =	swait.ge [sflag:s4], $0x0  }
0x19: {  	s7 =	sld [smem:$0x3F9F]  }
0x1a: {  	s8 =	sadd.s32 $0xFFFFE003, lr  }
0x1b: {  	s9 =	sadd.s32 $0xFFFFFEF7, lr;
	s5 =	simm.s32 $0xFFFFFFFF;
	p2 =	slt.u32 s8, $0xFFFFF086  }
0x1c: {  	p1 =	slt.u32 s9, $0xF7A;
	s5 =	simm.s32 @!p2 $0x0  }
0x1d: {  	s5 =	simm.s32 @p1 $0x1;
	p0 =	seq.s32 s7, s2  }
0x1e: {  	s7 =	smul.u32 @!p0 $0xF7A, s2;
	p2 =	seq.s32 @!p0 s5, $0x0  }
0x1f: {  	s9 =	smul.u32 $0xF7A, s1;
	s8 =	simm.s32 @!p0 $0x1BF5;
	p2 =	por !p2, p0  }
0x20: {  	[sflag:s8] =	ssyncset.s32 @!p0 $0xFFFFF086;
	s6 =	sadd.s32 @!p0 s3, s7;
	s7 =	simm.s32 @!p0 $0x108  }
0x21: {  	s3 =	sadd.s32 s3, s9;
	s6 =	sadd.s32 @!p0 $0x88, s6;
	s7 =	simm.s32 @p2 $0x1082  }
0x22: {  	[simem:s7], [sflag:s8] =	dma.local @!p0 [hbm:s6], $0xF7A  }
0x23: {  	s9 =	sor.u32 $0xD0000000, s2;
	s6 =	simm.s32 $0x108;
	_ =	swait.ge @!p0 [sflag:s8], $0x0  }
0x24: {  	s3 =	sadd.s32 $0x88, s3;
	s6 =	simm.s32 @!p1 $0x1082;
	[sflag:s4] =	ssyncset.s32 $0xFFFFF086  }
0x25: {  	[simem:s6], [sflag:s4] =	dma.local [hbm:s3], $0xF7A  }
0x26: {  	[smem:$0x3F9F] =	sst s1;
	(tag) =	ssettag s2;
	_ =	strace s9  }
0x27: {  	s1 =	sld [smem:$0x3FAF]  }
0x28: {  	s2 =	sld [smem:$0x3FB0]  }
0x29: {  	s4 =	sld [smem:$0x3FB2]  }
0x2a: {  	p0 =	seq.s32 s5, $0x0;
	s5 =	sld [smem:$0x3FB3]  }
0x2b: {  	s6 =	sld [smem:$0x3FB4]  }
0x2c: {  	s7 =	sld [smem:$0x3FB5]  }
0x2d: {  	s3 =	simm.s32 $0x108;
	s8 =	sld [smem:$0x3FB6]  }
0x2e: {  	s3 =	simm.s32 @!p0 $0x1082;
	s9 =	sld [smem:$0x3FB7]  }
0x2f: {  	lr =	sadd.s32 s0, s3;
	s0 =	sld [smem:$0x3FAE]  }
0x30: {  	s3 =	sld [smem:$0x3FB1]  }
0x31: {  	[smem:$0x3FBA] =	sst s10  }
0x32: {  	s10 =	sld [smem:$0x3FB8];
	_ =	sdelay $0x3  }
0x33: {  	p0 =	seq.s32 s10, $0x1;
	s10 =	sld [smem:$0x3FBA];
	_ =	sdelay $0x3  }
0x34: {  	[smem:$0x3FBA] =	sst s10  }
0x35: {  	s10 =	sld [smem:$0x3FB9];
	_ =	sdelay $0x3  }
0x36: {  	p1 =	seq.s32 s10, $0x1;
	s10 =	sld [smem:$0x3FBA];
	_ =	sdelay $0x3  }
0x37: {  	[smem:$0x3FBA] =	sst s10  }
0x38: {  	s10 =	sld [smem:$0x3FBB]  }
0x39: {  	_ = 	snop;
	(pc) =	sbr.ind lr, $3  }
0x3a: {  	_ = 	snop  }
0x3b: {  	_ = 	snop  }
0x3c: {  	p2 =	seq.s32 s10, $0x1;
	s10 =	sld [smem:$0x3FBA]  }
0x3d: {  	_ =	shalt  }
0x3e: {  	_ =	shalt  }
0x3f: {  	_ =	shalt  }
0x40: {  	_ =	shalt  }
0x41: {  	_ =	shalt  }
0x42: {  	_ =	shalt  }
0x43: {  	_ =	shalt  }
0x44: {  	_ =	shalt  }
0x45: {  	_ =	shalt  }
0x46: {  	_ =	shalt  }
0x47: {  	_ =	shalt  }
0x48: {  	_ =	shalt  }
0x49: {  	_ =	shalt  }
0x4a: {  	_ =	shalt  }
0x4b: {  	_ =	shalt  }
0x4c: {  	_ =	shalt  }
0x4d: {  	_ =	shalt  }
0x4e: {  	_ =	shalt  }
0x4f: {  	_ =	shalt  }
0x50: {  	_ =	shalt  }
0x51: {  	_ =	shalt  }
0x52: {  	_ =	shalt  }
0x53: {  	_ =	shalt  }
0x54: {  	_ =	shalt  }
0x55: {  	_ =	shalt  }
0x56: {  	_ =	shalt  }
0x57: {  	_ =	shalt  }
0x58: {  	_ =	shalt  }
0x59: {  	_ =	shalt  }
0x5a: {  	_ =	shalt  }
0x5b: {  	_ =	shalt  }
0x5c: {  	_ =	shalt  }
0x5d: {  	_ =	shalt  }
0x5e: {  	_ =	shalt  }
0x5f: {  	_ =	shalt  }
0x60: {  	_ =	shalt  }
0x61: {  	_ =	shalt  }
0x62: {  	_ =	shalt  }
0x63: {  	_ =	shalt  }
0x64: {  	_ =	shalt  }
0x65: {  	_ =	shalt  }
0x66: {  	_ =	shalt  }
0x67: {  	_ =	shalt  }
0x68: {  	_ =	shalt  }
0x69: {  	_ =	shalt  }
0x6a: {  	_ =	shalt  }
0x6b: {  	_ =	shalt  }
0x6c: {  	_ =	shalt  }
0x6d: {  	_ =	shalt  }
0x6e: {  	_ =	shalt  }
0x6f: {  	_ =	shalt  }
0x70: {  	_ =	shalt  }
0x71: {  	_ =	shalt  }
0x72: {  	_ =	shalt  }
0x73: {  	_ =	shalt  }
0x74: {  	_ =	shalt  }
0x75: {  	_ =	shalt  }
0x76: {  	_ =	shalt  }
0x77: {  	_ =	shalt  }
0x78: {  	_ =	shalt  }
0x79: {  	_ =	shalt  }
0x7a: {  	_ =	shalt  }
0x7b: {  	_ =	shalt  }
0x7c: {  	_ =	shalt  }
0x7d: {  	_ =	shalt  }
0x7e: {  	_ =	shalt  }
0x7f: {  	_ =	shalt  }
0x80: {  	_ =	shalt  }
0x81: {  	_ =	shalt  }
0x82: {  	_ =	shalt  }
0x83: {  	_ =	shalt  }
0x84: {  	_ =	shalt  }
0x85: {  	_ =	shalt  }
0x86: {  	_ =	shalt  }
0x87: {  	_ =	shalt  }
.Lfunc_end0:
.L_simem_size_0:
called_computation_lowered:
.L_overlay_start_0:
0x88: {  	s2 =	sld [smem:$0x3FD9]  }
0x89: {  	s3 =	sld [smem:$0x3FFE];
	_ =	sdelay $0x1  }
0x8a: {  	s1 =	srdreg.scid  }
0x8b: {  	s0 =	sand.u32 $0x1, s1  }
0x8c: {  	s17 =	sshll.u32 s0, $0xA;
	s2 =	sadd.s32 s3, s2  }
0x8d: {  	s2 =	sadd.s32 s2, s17  }
0x8e: {  	[smem:$0x3FC6] =	sst s2  }
0x8f: {  	_ = 	snop  }
0x90: {  	s2 =	sld [smem:$0x3FD0];
	(tm) =	ssettm $0x1  }
0x91: {  	s18 =	sld [smem:$0x3FFB];
	_ =	sdelay $0x3  }
0x92: {  	_ =	strace s18  }
0x93: {  	s3 =	sld [smem:$0x3FFC];
	_ =	sdelay $0x3  }
0x94: {  	_ =	strace s3  }
0x95: {  	s3 =	sld [smem:$0x3FFD];
	_ =	sdelay $0x3  }
0x96: {  	_ =	strace s3  }
0x97: {  	_ =	strace $0x8FFFFFFF  }
0x98: {  	s19 =	sld [smem:$0x3FDB];
	_ =	sdelay $0x1  }
0x99: {  	s4 =	simm.s32 $_scs_section_size  }
0x9a: {  	s5 =	simm.s32 $_size__tile_overlayer_lowered;
	s6 =	simm.s32 $_tile_overlayer_lowered  }
0x9b: {  	s22 =	simm.s32 $0x1BFF;
	s21 =	sshll.u32 s6, $0x1;
	s3 =	sadd.s32 s4, s19  }
0x9c: {  	s7 =	simm.s32 $0x0;
	s20 =	sshll.u32 s5, $0x1;
	s5 =	sadd.s32 s21, s3  }
0x9d: {  	[timem:s7], [sflag:s22] =	dma.local [hbm:s5], s20  }
0x9e: {  	_ =	swait.ge [sflag:s22], s20  }
0x9f: {  	s4 =	ssub.s32 $0x0, s20;
	[sflag:s22] =	ssyncset.done $0x0  }
0xa0: {  	[sflag:s22] =	ssyncadd.s32 s4;
	_ =	sdelay $0x1  }
0xa1: {  	s23 =	simm.s32 $0x1B8B  }
0xa2: {  	_ =	swait.ge [sflag:s23], $0x1  }
0xa3: {  	[sflag:s23] =	ssyncset.done $0x0  }
0xa4: {  	s25 =	simm.s32 $0x1B8E;
	s24 =	sld [smem:$0x3FFE];
	[sflag:s23] =	ssyncadd.s32 $0xFFFFFFFF  }
0xa5: {  	s26 =	simm.s32 $execute0_lowered;
	[smem:$0x3FD2] =	sst s25  }
0xa6: {  	s5 =	sshll.u32 s26, $0x1;
	_ =	strace $0x80000046;
	[dreg:$0x1] =	wrdreg $0xFFFFFFFF  }
0xa7: {  	s28 =	simm.s32 $_size_execute0_lowered;
	s3 =	sadd.s32 s3, s5;
	[dreg:$0x0] =	wrdreg $0x0  }
0xa8: {  	s5 =	sshll.u32 s28, $0x1;
	[dreg:$0x2] =	wrdreg s3  }
0xa9: {  	[dreg:$0x3] =	wrdreg s5  }
0xaa: {  	[dreg:$0x4] =	wrdreg $0xC0  }
0xab: {  	_ =	task [dreg:s7], $0x5FFFF  }
0xac: {  	[dreg:$0x1] =	wrdreg $0xFFFFFFFF  }
0xad: {  	[dreg:$0x0] =	wrdreg $0x60  }
0xae: {  	[dreg:$0x2] =	wrdreg s2  }
0xaf: {  	[dreg:$0x3] =	wrdreg s24  }
0xb0: {  	[dreg:$0x4] =	wrdreg $0x9  }
0xb1: {  	_ =	task.clear_ibuf [dreg:s7], $0x5FFFF;
	_ =	strace $0x90000046  }
0xb2: {  	s29 =	simm.s32 $0x9;
	_ =	strace $0x80000048  }
0xb3: {  	_ =	swait.ge [sflag:s29], $0x1  }
0xb4: {  	[sflag:s29] =	ssyncadd.s32 $0xFFFFFFFF  }
0xb5: {  	_ =	strace $0x90000048  }
0xb6: {  	_ =	sfence  }
0xb7: {  	s30 =	sld [smem:$0x0];
	_ =	sdelay $0x2  }
0xb8: {  	s31 =	sshll.u32 s1, $0xD;
	s1 =	sshrl.u32 s1, $0x2  }
0xb9: {  	s3 =	sand.u32 $0x4000, s31;
	s1 =	sadd.s32 s1, s30  }
0xba: {  	s0 =	sor.u32 s3, s0;
	s1 =	sshll.u32 s1, $0x11  }
0xbb: {  	s0 =	sor.u32 s1, s0  }
0xbc: {  	s0 =	sadd.s32 $0x8F2B, s0  }
0xbd: {  	[sflag:s0] =	ssyncadd.remote.s32 $0x1  }
0xbe: {  	_ =	sfence.sel $0xFFFF  }
0xbf: {  	[dreg:$0x0] =	wrdreg $0xFFFFFFFF;
	(pc) =	sbr.abs _section_cstart, $3  }
0xc0: {  	[dreg:$0x1] =	wrdreg $0xFFFFFFFF  }
0xc1: {  	_ =	task.clear_ibuf [dreg:s7], $0x2FFFF;
	_ =	strace $0x9FFFFFFF  }
0xc2: {  	(tm) =	ssettm $0x7FFFFFFF  }
0xc3: {  	_ =	shalt  }
tec
execute0_lowered:
.L_overlay_start_1:
0x0: {  	(tag) =	ssettag $0x1  }
0x1: {  	s0 =	srdreg.scid  }
0x2: {  	s3 =	sand.u32 $0x1, s0  }
0x3: {  	s6 =	rddreg [dreg:$0x0];
	s0 =	stileid.u32;
	s1 =	sshll.u32 s3, $0x4  }
0x4: {  	s7 =	rddreg [dreg:$0x1];
	s5 =	sand.u32 $0x7, s0;
	s4 =	sor.u32 s0, s1  }
0x5: {  	s8 =	simm.s32 $0x1;
	p1 =	sne.s32 s5, $0x0;
	p0 =	seq.s32 s4, $0x0  }
0x6: {  	s2 =	simm.s32 $0x0;
	s13 =	simm.s32 $0x4F80;
	p0 =	por !p1, !p0  }
0x7: {  	s14 =	simm.s32 $0x0;
	[smem:$0x7FF] =	sst s2;
	p0 =	por !p0, !p0  }
0x8: {  	s12 =	sadd.s32 $0x800, s7;
	s4 =	sshrl.u32 s4, $0x3;
	s8 =	simm.s32 @!p0 $0x0  }
0x9: {  	s24 =	ssub.s32 $0x2, s3;
	s5 =	smul.u32 $0x1880, s5;
	s4 =	ssub.s32 s4, s8  }
0xa: {  	s3 =	sadd.s32 $0x600, s7;
	s1 =	rddreg [dreg:$0x2];
	s9 =	smul.u32 $0xC400, s4  }
0xb: {  	_ =	strace $0x80000047;
	s10 =	sshrl.u32 s24, $0x1;
	s11 =	smul.u32 $0x24C00, s4  }
0xc: {  	s10 =	ssub.s32 s24, s10;
	s4 =	simm.s32 $0x1;
	s25 =	sadd.s32 s5, s9  }
0xd: {  	s26 =	sadd.s32 s5, s11;
	s9 =	smax.u32 s10, $0x1;
	s10 =	simm.s32 $0x600  }
0xe: {  	s11 =	simm.s32 $0x1E80;
	s7 =	sshrl.u32 s25, $0x3;
	s28 =	sadd.s32 $0xC400, s26  }
0xf: {  	s29 =	sadd.s32 $0x18800, s26;
	s8 =	sshrl.u32 s26, $0x3;
	s5 =	sadd.s32 s6, s7  }
0x10: {  	s30 =	sshrl.u32 s28, $0x3;
	s31 =	sshrl.u32 s29, $0x3;
	s6 =	sadd.s32 s12, s8  }
0x11: {  	s7 =	sadd.s32 s12, s30;
	s8 =	sadd.s32 s12, s31;
	s12 =	simm.s32 $0x3700  }
.LBB2_1:
0x12: {  	[tilespmem:s2], [sflag:$0x1] =	stream.linear.gather [hbm4b:s3+s2], $0x600, $0x38;
	[tilespmem:$0x6800] =	vst v63  }
0x13: {  	_ =	swait.ge [sflag:s4], $0x600  }
0x14: {  	[sflag:s4] =	ssyncset.done $0x0  }
0x15: {  	[sflag:s4] =	ssyncadd.s32 $0xFFFFFA00  }
0x16: {  	[tilespmem:s10], [sflag:$0x1] =	stream.linear.gather [hbm4b:s5+s2], $0x1880, $0x38;
	[tilespmem:$0x6800] =	vst v63  }
0x17: {  	_ =	swait.ge [sflag:s4], $0x1880  }
0x18: {  	[sflag:s4] =	ssyncset.done $0x0  }
0x19: {  	s15 =	simm.s32 $0x0;
	[sflag:s4] =	ssyncadd.s32 $0xFFFFE780  }
0x1a: {  	v0 =	vld [tilespmem:s15+$0x600];
	_ =	sdelay $0x4  }
0x1b: {  	v1 =	vmul.u32 $0x3, v0;
	_ =	sdelay $0x5  }
0x1c: {  	v0 =	vld.idx.msk [tilespmem:v1+s2+$0x0], $0xffff  }
0x1d: {  	v2 =	vadd.s32 $0x1, v1;
	_ =	sdelay $0x3  }
0x1e: {  	[tilespmem:s15+$0x1E80] =	vst v0  }
0x1f: {  	v0 =	vld.idx.msk [tilespmem:v2+s2+$0x0], $0xffff  }
0x20: {  	s17 =	simm.s32 $0x10;
	s16 =	simm.s32 $0x80;
	v1 =	vadd.s32 $0x2, v1  }
.LBB2_2:
0x21: {  	p0 =	sne.s32 s16, $0x61C0;
	v2 =	vld [tilespmem:s17+$0x600];
	_ =	sdelay $0x2  }
0x22: {  	[tilespmem:s15+$0x3700] =	vst v0  }
0x23: {  	v0 =	vld.idx.msk [tilespmem:v1+s2+$0x0], $0xffff  }
0x24: {  	v1 =	vmul.u32 $0x3, v2;
	_ =	sdelay $0x4  }
0x25: {  	[tilespmem:s15+$0x4F80] =	vst v0;
	s15 =	smov.u32 s17  }
0x26: {  	v0 =	vld.idx.msk [tilespmem:v1+s2+$0x0], $0xffff;
	_ =	sdelay $0x1  }
0x27: {  	v2 =	vadd.s32 $0x1, v1;
	_ =	sdelay $0x2  }
.Ltmp0:
0x28: {  	(pc) =	sbr.rel @p0 .LBB2_2-.Ltmp0, $3  }
0x29: {  	[tilespmem:s15+$0x1E80] =	vst v0  }
0x2a: {  	v0 =	vld.idx.msk [tilespmem:v2+s2+$0x0], $0xffff;
	_ =	sdelay $0x1  }
0x2b: {  	s17 =	sshra.s32 s16, $0x2;
	s16 =	sadd.s32 $0x40, s16;
	v1 =	vadd.s32 $0x2, v1  }
0x2c: {  	v2 =	vld [tilespmem:s17+$0x600];
	_ =	sdelay $0x3  }
0x2d: {  	[tilespmem:s15+$0x3700] =	vst v0  }
0x2e: {  	v0 =	vld.idx.msk [tilespmem:v1+s2+$0x0], $0xffff;
	v63 =	vmul.u32 $0x3, v2;
	_ =	sdelay $0x4  }
0x2f: {  	[tilespmem:s15+$0x4F80] =	vst v0  }
0x30: {  	v0 =	vld.idx.msk [tilespmem:v63+s2+$0x0], $0xffff  }
0x31: {  	v2 =	vadd.s32 $0x1, v63;
	_ =	sdelay $0x3  }
0x32: {  	[tilespmem:s17+$0x1E80] =	vst v0  }
0x33: {  	v0 =	vld.idx.msk [tilespmem:v2+s2+$0x0], $0xffff  }
0x34: {  	v1 =	vadd.s32 $0x2, v63;
	_ =	sdelay $0x3  }
0x35: {  	[tilespmem:s17+$0x3700] =	vst v0  }
0x36: {  	v0 =	vld.idx.msk [tilespmem:v1+s2+$0x0], $0xffff;
	_ =	sdelay $0x4  }
0x37: {  	[tilespmem:s17+$0x4F80] =	vst v0  }
0x38: {  	[hbm4b:s6+s2] =	stream.linear.scatter [tilespmem:s11], [sflag:$0x1], $0x1880, $0x38;
	[tilespmem:$0x6800] =	vst v63  }
0x39: {  	_ =	swait.ge [sflag:s4], $0x1880  }
0x3a: {  	[sflag:s4] =	ssyncset.done $0x0  }
0x3b: {  	[sflag:s4] =	ssyncadd.s32 $0xFFFFE780  }
0x3c: {  	[hbm4b:s7+s2] =	stream.linear.scatter [tilespmem:s12], [sflag:$0x1], $0x1880, $0x38;
	[tilespmem:$0x6800] =	vst v63  }
0x3d: {  	s14 =	sadd.s32 $0x1, s14;
	_ =	swait.ge [sflag:s4], $0x1880  }
0x3e: {  	p0 =	sne.s32 s14, s9;
	[sflag:s4] =	ssyncset.done $0x0  }
.Ltmp1:
0x3f: {  	[sflag:s4] =	ssyncadd.s32 $0xFFFFE780;
	(pc) =	sbr.rel @p0 .LBB2_1-.Ltmp1, $4  }
0x40: {  	[hbm4b:s8+s2] =	stream.linear.scatter [tilespmem:s13], [sflag:$0x1], $0x1880, $0x38;
	[tilespmem:$0x6800] =	vst v63  }
0x41: {  	_ =	swait.ge [sflag:s4], $0x1880  }
0x42: {  	[sflag:s4] =	ssyncset.done $0x0  }
0x43: {  	[sflag:s4] =	ssyncadd.s32 $0xFFFFE780  }
0x44: {  	_ =	sfence.sel $0x180000  }
0x45: {  	[bflag:$0x0] =	sbarrier.arrive $0xFFFF  }
0x46: {  	p0 =	sne.s32 s0, $0x0;
	_ =	strace $0x90000047  }
0x47: {  	s0 =	sadd.s32 @!p0 $0x100000, s1;
	[bflag:$0x2] =	sbarrier.arrive $0xFFFF  }
0x48: {  	[sflag:s0] =	ssyncadd.tile.s32 @!p0 $0x1;
	_ =	shalt  }
.Lfunc_end2:
_tile_overlayer_lowered:
.L_overlay_start_2:
0x49: {  	(tag) =	ssettag $0x2  }
0x4a: {  	s0 =	rddreg [dreg:$0x0];
	s2 =	stileid.u32  }
0x4b: {  	s1 =	rddreg [dreg:$0x1];
	p0 =	sne.s32 s2, $0x0  }
0x4c: {  	s3 =	rddreg [dreg:$0x2];
	[bflag:$0x3] =	sbarrier.arrive $0xFFFF;
	s2 =	simm.s32 @!p0 $0x1C01  }
0x4d: {  	[timem:s3], [sflag:s2] =	dma.local @!p0 [hbm:s0], s1  }
0x4e: {  	s0 =	simm.s32 @!p0 $0x1  }
0x4f: {  	_ =	swait.ge @!p0 [sflag:s0], s1  }
0x50: {  	s1 =	ssub.s32 @!p0 $0x0, s1;
	[sflag:s0] =	ssyncset.done @!p0 $0x0  }
0x51: {  	[sflag:s0] =	ssyncadd.s32 @!p0 s1  }
0x52: {  	[bflag:$0x3] =	sbarrier.arrive $0xFFFF  }
0x53: {  	_ =	shalt  }

</sc_bundles>
